<compile_context>
chip_gen: v7x
topology: tpu7x:2x2x1
jax: 0.10.2.dev20260603
libtpu: 0.0.44.dev20260713+nightly
codegen_flags: <defaults>
</compile_context>

<pallas_src>
import functools

import jax
import jax.numpy as jnp
from jax import lax
from jax.experimental import pallas as pl
from jax.experimental.pallas import tpu as pltpu
from jax.experimental.pallas import tpu_sc as plsc

B = 16
ROWS = 896
COLS = 5313
BIN0 = 416
NBIN = 64
NTRK = 32
TSTRIDE = 100
W0 = 384
WREL = BIN0 - W0

_GDN = lax.GatherDimensionNumbers(
    offset_dims=(), collapsed_slice_dims=(0,), start_index_map=(0,)
)


def _perm(v, idx):
    return lax.gather(
        v, idx[:, None], _GDN, (1,), mode=lax.GatherScatterMode.PROMISE_IN_BOUNDS
    )


def _sc_score(y):
    mesh = plsc.VectorSubcoreMesh(core_axis_name="c", subcore_axis_name="s")

    @functools.partial(
        pl.kernel,
        mesh=mesh,
        out_type=jax.ShapeDtypeStruct((NTRK * B,), jnp.float32),
        scratch_types=[
            pltpu.VMEM((B, 128), jnp.float32),
            pltpu.VMEM((B,), jnp.float32),
            pltpu.SemaphoreType.DMA,
        ],
        compiler_params=pltpu.CompilerParams(use_tc_tiling_on_sc=True),
    )
    def k(y_hbm, out_hbm, buf_v, res_v, sem):
        w = lax.axis_index("c") * 16 + lax.axis_index("s")
        pltpu.async_copy(
            y_hbm.at[w * TSTRIDE, pl.ds(0, B), pl.ds(W0, 128)], buf_v, sem
        ).wait()
        lane = lax.iota(jnp.int32, 16)
        xors = [lane ^ k for k in (8, 4, 2, 1)]

        def body(b, res):
            acc = buf_v[b, pl.ds(WREL, 16)]
            for c in range(1, NBIN // 16):
                acc = acc + buf_v[b, pl.ds(WREL + c * 16, 16)]
            for ix in xors:
                acc = acc + _perm(acc, ix)
            return jnp.where(lane == b, acc, res)

        res_v[...] = lax.fori_loop(0, B, body, jnp.zeros((B,), jnp.float32))
        pltpu.sync_copy(res_v, out_hbm.at[pl.ds(w * B, B)])

    return k(y)


def kernel(inputs):
    y = jnp.transpose(inputs, (2, 0, 1))
    out = _sc_score(y)
    return out.reshape(NTRK, B).T

# --- scband reference (transcript-rebuilt; emitter-appended) ---
"""Pipeline reference for scband-score-5918464934707 (READ-ONLY COPY).

The authoritative reference and input builder live on the scoring server;
editing this copy changes nothing except your own understanding.
"""

import jax, jax.numpy as jnp
import numpy as np

BIN_IDXS = jnp.array([416, 417, 418, 419, 420, 421, 422, 423, 424, 425, 426, 427, 428, 429, 430, 431, 432, 433, 434, 435, 436, 437, 438, 439, 440, 441, 442, 443, 444, 445, 446, 447, 448, 449, 450, 451, 452, 453, 454, 455, 456, 457, 458, 459, 460, 461, 462, 463, 464, 465, 466, 467, 468, 469, 470, 471, 472, 473, 474, 475, 476, 477, 478, 479], dtype=jnp.int32)
TRACK_IDXS = jnp.array([0, 100, 200, 300, 400, 500, 600, 700, 800, 900, 1000, 1100, 1200, 1300, 1400, 1500, 1600, 1700, 1800, 1900, 2000, 2100, 2200, 2300, 2400, 2500, 2600, 2700, 2800, 2900, 3000, 3100], dtype=jnp.int32)


def setup_inputs(seed: int = 0) -> dict:
    key = jax.random.key(seed)
    inputs = jax.random.normal(key, (16, 896, 5313), dtype=jnp.float32)
    return {"inputs": inputs}


def reference(inputs):
    # gather bins along axis 1, then tracks along axis 2
    x = jnp.take(inputs, BIN_IDXS, axis=1)
    x = jnp.take(x, TRACK_IDXS, axis=2)
    # bin_reduce='sum' -> reduce over bin axis
    x = jnp.sum(x, axis=1)
    # track_reduce=None -> skip
    return x

if __name__ == "__main__":
    import jax
    _d = setup_inputs()
    print(jax.jit(kernel)(*tuple(_d.values())))

</pallas_src>

<mosaic_0001>
#map = affine_map<(d0, d1) -> (0, 0, 0)>
#map1 = affine_map<(d0, d1) -> (0)>
module attributes {stable_mosaic.version = 14 : i64} {
  func.func @k(%arg0: i32, %arg1: i32, %arg2: memref<5313x16x896xf32, #tpu.memory_space<hbm>>, %arg3: memref<512xf32, #tpu.memory_space<hbm>>, %arg4: memref<16x128xf32, #tpu.memory_space<vmem>>, %arg5: memref<16xf32, #tpu.memory_space<vmem>>, %arg6: memref<!tpu.dma_semaphore, #tpu.memory_space<semaphore_mem>>) attributes {dimension_semantics = [#tpu.dimension_semantics<core_parallel>, #tpu.dimension_semantics<subcore_parallel>], iteration_bounds = array<i64: 2, 16>, scalar_prefetch = 0 : i64, scratch_operands = 3 : i64, tpu.core_type = #tpu.core_type<sc_vector_subcore>, window_params = [{transform_indices = #map}, {transform_indices = #map1}]} {
    %mul3A = arith.constant 16 : i32
    %mul3A_0 = arith.muli %arg0, %mul3A : i32
    %add3A = arith.addi %mul3A_0, %arg1 : i32
    %mul3A_1 = arith.constant 100 : i32
    %mul3A_2 = arith.muli %add3A, %mul3A_1 : i32
    %dma_start3A = arith.constant 0 : i32
    %dma_start3A_3 = arith.constant 384 : i32
    %dma_start3A_4 = tpu.memref_slice %arg2[%mul3A_2, %dma_start3A, %dma_start3A_3] : memref<5313x16x896xf32, #tpu.memory_space<hbm>> -> memref<1x16x128xf32, #tpu.memory_space<hbm>>
    %dma_start3A_5 = tpu.memref_squeeze %dma_start3A_4 : memref<1x16x128xf32, #tpu.memory_space<hbm>> -> memref<16x128xf32, #tpu.memory_space<hbm>>
    %dma_start3A_6 = arith.constant 0 : i32
    %dma_start3A_7 = arith.constant 384 : i32
    %dma_start3A_8 = tpu.memref_slice %arg2[%mul3A_2, %dma_start3A_6, %dma_start3A_7] : memref<5313x16x896xf32, #tpu.memory_space<hbm>> -> memref<1x16x128xf32, #tpu.memory_space<hbm>>
    %dma_start3A_9 = tpu.memref_squeeze %dma_start3A_8 : memref<1x16x128xf32, #tpu.memory_space<hbm>> -> memref<16x128xf32, #tpu.memory_space<hbm>>
    tpu.enqueue_dma source(%dma_start3A_9 : memref<16x128xf32, #tpu.memory_space<hbm>>) target(%arg4 : memref<16x128xf32, #tpu.memory_space<vmem>>) target_semaphore(%arg6 : memref<!tpu.dma_semaphore, #tpu.memory_space<semaphore_mem>>)
    %dma_wait3A = arith.constant 0 : i32
    %dma_wait3A_10 = arith.constant 384 : i32
    %dma_wait3A_11 = tpu.memref_slice %arg2[%mul3A_2, %dma_wait3A, %dma_wait3A_10] : memref<5313x16x896xf32, #tpu.memory_space<hbm>> -> memref<1x16x128xf32, #tpu.memory_space<hbm>>
    %dma_wait3A_12 = tpu.memref_squeeze %dma_wait3A_11 : memref<1x16x128xf32, #tpu.memory_space<hbm>> -> memref<16x128xf32, #tpu.memory_space<hbm>>
    %dma_wait3A_13 = arith.constant 0 : i32
    %dma_wait3A_14 = arith.constant 384 : i32
    %dma_wait3A_15 = tpu.memref_slice %arg2[%mul3A_2, %dma_wait3A_13, %dma_wait3A_14] : memref<5313x16x896xf32, #tpu.memory_space<hbm>> -> memref<1x16x128xf32, #tpu.memory_space<hbm>>
    %dma_wait3A_16 = tpu.memref_squeeze %dma_wait3A_15 : memref<1x16x128xf32, #tpu.memory_space<hbm>> -> memref<16x128xf32, #tpu.memory_space<hbm>>
    tpu.wait_dma2 semaphore(%arg6 : memref<!tpu.dma_semaphore, #tpu.memory_space<semaphore_mem>>) src(%dma_wait3A_16 : memref<16x128xf32, #tpu.memory_space<hbm>>) dst(%arg4 : memref<16x128xf32, #tpu.memory_space<vmem>>)
    %iota3A = tpu.iota {dimensions = array<i32: 0>} : vector<16xi32>
    %xor3A = arith.constant 8 : i32
    %xor3A_17 = vector.broadcast %xor3A : i32 to vector<16xi32>
    %xor3A_18 = arith.xori %iota3A, %xor3A_17 : vector<16xi32>
    %xor3A_19 = arith.constant 4 : i32
    %xor3A_20 = vector.broadcast %xor3A_19 : i32 to vector<16xi32>
    %xor3A_21 = arith.xori %iota3A, %xor3A_20 : vector<16xi32>
    %xor3A_22 = arith.constant 2 : i32
    %xor3A_23 = vector.broadcast %xor3A_22 : i32 to vector<16xi32>
    %xor3A_24 = arith.xori %iota3A, %xor3A_23 : vector<16xi32>
    %xor3A_25 = arith.constant 1 : i32
    %xor3A_26 = vector.broadcast %xor3A_25 : i32 to vector<16xi32>
    %xor3A_27 = arith.xori %iota3A, %xor3A_26 : vector<16xi32>
    %broadcast_in_dim3A = arith.constant 0.000000e+00 : f32
    %broadcast_in_dim3A_28 = vector.broadcast %broadcast_in_dim3A : f32 to vector<16xf32>
    %scan3A = arith.constant 0 : i32
    %scan3A_29 = arith.constant 16 : i32
    %scan3A_30 = arith.addi %scan3A, %scan3A_29 : i32
    %scan3A_31 = arith.constant 1 : i32
    %scan3A_32 = scf.for %scan3A_39 = %scan3A to %scan3A_30 step %scan3A_31 iter_args(%scan3A_40 = %broadcast_in_dim3A_28) -> (vector<16xf32>)  : i32 {
      %get3A = arith.index_cast %scan3A_39 : i32 to index
      %get3A_41 = arith.constant 32 : index
      %get3A_42 = tpu.vector_load %arg4[%get3A, %get3A_41] {strides = array<i32>} : memref<16x128xf32, #tpu.memory_space<vmem>>, vector<1x16xf32>,
      %get3A_43 = vector.shape_cast %get3A_42 : vector<1x16xf32> to vector<16xf32>
      %get3A_44 = arith.index_cast %scan3A_39 : i32 to index
      %get3A_45 = arith.constant 48 : index
      %get3A_46 = tpu.vector_load %arg4[%get3A_44, %get3A_45] {strides = array<i32>} : memref<16x128xf32, #tpu.memory_space<vmem>>, vector<1x16xf32>,
      %get3A_47 = vector.shape_cast %get3A_46 : vector<1x16xf32> to vector<16xf32>
      %add3A_48 = arith.addf %get3A_43, %get3A_47 : vector<16xf32>
      %get3A_49 = arith.index_cast %scan3A_39 : i32 to index
      %get3A_50 = arith.constant 64 : index
      %get3A_51 = tpu.vector_load %arg4[%get3A_49, %get3A_50] {strides = array<i32>} : memref<16x128xf32, #tpu.memory_space<vmem>>, vector<1x16xf32>,
      %get3A_52 = vector.shape_cast %get3A_51 : vector<1x16xf32> to vector<16xf32>
      %add3A_53 = arith.addf %add3A_48, %get3A_52 : vector<16xf32>
      %get3A_54 = arith.index_cast %scan3A_39 : i32 to index
      %get3A_55 = arith.constant 80 : index
      %get3A_56 = tpu.vector_load %arg4[%get3A_54, %get3A_55] {strides = array<i32>} : memref<16x128xf32, #tpu.memory_space<vmem>>, vector<1x16xf32>,
      %get3A_57 = vector.shape_cast %get3A_56 : vector<1x16xf32> to vector<16xf32>
      %add3A_58 = arith.addf %add3A_53, %get3A_57 : vector<16xf32>
      %broadcast_in_dim3A_59 = vector.shape_cast %xor3A_18 : vector<16xi32> to vector<16x1xi32>
      %gather3A = vector.shape_cast %broadcast_in_dim3A_59 : vector<16x1xi32> to vector<16xi32>
      %gather3A_60 = tpu.dynamic_gather %add3A_58[%gather3A] in [0] : vector<16xf32>, vector<16xi32> -> vector<16xf32>
      %add3A_61 = arith.addf %add3A_58, %gather3A_60 : vector<16xf32>
      %broadcast_in_dim3A_62 = vector.shape_cast %xor3A_21 : vector<16xi32> to vector<16x1xi32>
      %gather3A_63 = vector.shape_cast %broadcast_in_dim3A_62 : vector<16x1xi32> to vector<16xi32>
      %gather3A_64 = tpu.dynamic_gather %add3A_61[%gather3A_63] in [0] : vector<16xf32>, vector<16xi32> -> vector<16xf32>
      %add3A_65 = arith.addf %add3A_61, %gather3A_64 : vector<16xf32>
      %broadcast_in_dim3A_66 = vector.shape_cast %xor3A_24 : vector<16xi32> to vector<16x1xi32>
      %gather3A_67 = vector.shape_cast %broadcast_in_dim3A_66 : vector<16x1xi32> to vector<16xi32>
      %gather3A_68 = tpu.dynamic_gather %add3A_65[%gather3A_67] in [0] : vector<16xf32>, vector<16xi32> -> vector<16xf32>
      %add3A_69 = arith.addf %add3A_65, %gather3A_68 : vector<16xf32>
      %broadcast_in_dim3A_70 = vector.shape_cast %xor3A_27 : vector<16xi32> to vector<16x1xi32>
      %gather3A_71 = vector.shape_cast %broadcast_in_dim3A_70 : vector<16x1xi32> to vector<16xi32>
      %gather3A_72 = tpu.dynamic_gather %add3A_69[%gather3A_71] in [0] : vector<16xf32>, vector<16xi32> -> vector<16xf32>
      %add3A_73 = arith.addf %add3A_69, %gather3A_72 : vector<16xf32>
      %eq3A = vector.broadcast %scan3A_39 : i32 to vector<16xi32>
      %eq3A_74 = arith.cmpi eq, %iota3A, %eq3A : vector<16xi32>
      %select_n3A = arith.select %eq3A_74, %add3A_73, %scan3A_40 : vector<16xi1>, vector<16xf32>
      scf.yield %select_n3A : vector<16xf32>
    }
    %scan3A_33 = arith.constant 16 : i32
    %swap3A = arith.constant 0 : index
    %swap3A_34 = tpu.vector_load %arg5[%swap3A] {strides = array<i32>} : memref<16xf32, #tpu.memory_space<vmem>>, vector<16xf32>,
    %swap3A_35 = vector.shape_cast %swap3A_34 : vector<16xf32> to vector<16xf32>
    %swap3A_36 = vector.shape_cast %scan3A_32 : vector<16xf32> to vector<16xf32>
    tpu.vector_store %arg5[%swap3A], %swap3A_36 {strides = array<i32>} : memref<16xf32, #tpu.memory_space<vmem>>, vector<16xf32>,
    %mul3A_37 = arith.constant 16 : i32
    %mul3A_38 = arith.muli %add3A, %mul3A_37 : i32
    "tpu.region"() ({
      %run_scoped3A = tpu.sem_alloc : memref<!tpu.dma_semaphore, #tpu.memory_space<semaphore_mem>>
      %dma_start3A_39 = tpu.memref_slice %arg3[%mul3A_38] : memref<512xf32, #tpu.memory_space<hbm>> -> memref<16xf32, #tpu.memory_space<hbm>>
      %dma_start3A_40 = tpu.memref_slice %arg3[%mul3A_38] : memref<512xf32, #tpu.memory_space<hbm>> -> memref<16xf32, #tpu.memory_space<hbm>>
      tpu.enqueue_dma source(%arg5 : memref<16xf32, #tpu.memory_space<vmem>>) target(%dma_start3A_40 : memref<16xf32, #tpu.memory_space<hbm>>) target_semaphore(%run_scoped3A : memref<!tpu.dma_semaphore, #tpu.memory_space<semaphore_mem>>)
      %dma_wait3A_41 = tpu.memref_slice %arg3[%mul3A_38] : memref<512xf32, #tpu.memory_space<hbm>> -> memref<16xf32, #tpu.memory_space<hbm>>
      %dma_wait3A_42 = tpu.memref_slice %arg3[%mul3A_38] : memref<512xf32, #tpu.memory_space<hbm>> -> memref<16xf32, #tpu.memory_space<hbm>>
      tpu.wait_dma2 semaphore(%run_scoped3A : memref<!tpu.dma_semaphore, #tpu.memory_space<semaphore_mem>>) src(%arg5 : memref<16xf32, #tpu.memory_space<vmem>>) dst(%dma_wait3A_42 : memref<16xf32, #tpu.memory_space<hbm>>)
      tpu.yield
    }) : () -> ()
    return
  }
}

</mosaic_0001>

<sc_bundles>
// kernel: kernel.3.cloned.1.call-start
scs
__scs_entry_jumppad:
0x0: {  	(pc) =	sbr.rel $0x88, $3  }
0x1: {  	(tag) =	ssettag $0x0;
	lr =	simm.s32 $0x1  }
0x2: {  	[smem:$0x3FA0] =	sst lr;
	_ =	strace $0xD0000000  }
0x3: {  	_ = 	snop  }
0x4: {  	_ = 	snop  }
0x5: {  	_ = 	snop  }
0x6: {  	_ = 	snop  }
0x7: {  	_ = 	snop  }
__scs_overlays_trampoline_lowered:
0x8: {  	[smem:$0x3FAF] =	sst s0  }
0x9: {  	[smem:$0x3FB0] =	sst s1  }
0xa: {  	[smem:$0x3FB1] =	sst s2  }
0xb: {  	[smem:$0x3FB2] =	sst s3  }
0xc: {  	[smem:$0x3FB3] =	sst s4  }
0xd: {  	[smem:$0x3FB4] =	sst s5  }
0xe: {  	[smem:$0x3FB5] =	sst s6  }
0xf: {  	[smem:$0x3FB6] =	sst s7  }
0x10: {  	[smem:$0x3FB7] =	sst s8  }
0x11: {  	[smem:$0x3FB8] =	sst s9;
	s0 =	simm.s32 @!p0 $0x0  }
0x12: {  	s1 =	sld [smem:$0x3F9E];
	s0 =	simm.s32 @p0 $0x1  }
0x13: {  	[smem:$0x3FB9] =	sst s0;
	s0 =	simm.s32 @!p1 $0x0  }
0x14: {  	s2 =	sld [smem:$0x3F9D];
	s0 =	simm.s32 @p1 $0x1  }
0x15: {  	[smem:$0x3FBA] =	sst s0;
	s0 =	simm.s32 @!p2 $0x0  }
0x16: {  	s3 =	sld [smem:$0x3FDB];
	s0 =	simm.s32 @p2 $0x1  }
0x17: {  	s4 =	simm.s32 $0x1BF5;
	[smem:$0x3FBC] =	sst s0  }
0x18: {  	s0 =	sld [smem:$0x3F9F];
	_ =	swait.ge [sflag:s4], $0x0  }
0x19: {  	s7 =	sld [smem:$0x3FA0]  }
0x1a: {  	s8 =	sadd.s32 $0xFFFFE003, lr  }
0x1b: {  	s9 =	sadd.s32 $0xFFFFFEF7, lr;
	s5 =	simm.s32 $0xFFFFFFFF;
	p2 =	slt.u32 s8, $0xFFFFF086  }
0x1c: {  	p1 =	slt.u32 s9, $0xF7A;
	s5 =	simm.s32 @!p2 $0x0  }
0x1d: {  	s5 =	simm.s32 @p1 $0x1;
	p0 =	seq.s32 s7, s2  }
0x1e: {  	s7 =	smul.u32 @!p0 $0xF7A, s2;
	p2 =	seq.s32 @!p0 s5, $0x0  }
0x1f: {  	s9 =	smul.u32 $0xF7A, s1;
	s8 =	simm.s32 @!p0 $0x1BF5;
	p2 =	por !p2, p0  }
0x20: {  	[sflag:s8] =	ssyncset.s32 @!p0 $0xFFFFF086;
	s6 =	sadd.s32 @!p0 s3, s7;
	s7 =	simm.s32 @!p0 $0x108  }
0x21: {  	s3 =	sadd.s32 s3, s9;
	s6 =	sadd.s32 @!p0 $0x88, s6;
	s7 =	simm.s32 @p2 $0x1082  }
0x22: {  	[simem:s7], [sflag:s8] =	dma.local @!p0 [hbm:s6], $0xF7A  }
0x23: {  	s9 =	sor.u32 $0xD0000000, s2;
	s6 =	simm.s32 $0x108;
	_ =	swait.ge @!p0 [sflag:s8], $0x0  }
0x24: {  	s3 =	sadd.s32 $0x88, s3;
	s6 =	simm.s32 @!p1 $0x1082;
	[sflag:s4] =	ssyncset.s32 $0xFFFFF086  }
0x25: {  	[simem:s6], [sflag:s4] =	dma.local [hbm:s3], $0xF7A  }
0x26: {  	[smem:$0x3FA0] =	sst s1;
	(tag) =	ssettag s2;
	_ =	strace s9  }
0x27: {  	s1 =	sld [smem:$0x3FB0]  }
0x28: {  	s2 =	sld [smem:$0x3FB1]  }
0x29: {  	s4 =	sld [smem:$0x3FB3]  }
0x2a: {  	p0 =	seq.s32 s5, $0x0;
	s5 =	sld [smem:$0x3FB4]  }
0x2b: {  	s6 =	sld [smem:$0x3FB5]  }
0x2c: {  	s7 =	sld [smem:$0x3FB6]  }
0x2d: {  	s3 =	simm.s32 $0x108;
	s8 =	sld [smem:$0x3FB7]  }
0x2e: {  	s3 =	simm.s32 @!p0 $0x1082;
	s9 =	sld [smem:$0x3FB8]  }
0x2f: {  	lr =	sadd.s32 s0, s3;
	s0 =	sld [smem:$0x3FAF]  }
0x30: {  	s3 =	sld [smem:$0x3FB2]  }
0x31: {  	[smem:$0x3FBB] =	sst s10  }
0x32: {  	s10 =	sld [smem:$0x3FB9];
	_ =	sdelay $0x3  }
0x33: {  	p0 =	seq.s32 s10, $0x1;
	s10 =	sld [smem:$0x3FBB];
	_ =	sdelay $0x3  }
0x34: {  	[smem:$0x3FBB] =	sst s10  }
0x35: {  	s10 =	sld [smem:$0x3FBA];
	_ =	sdelay $0x3  }
0x36: {  	p1 =	seq.s32 s10, $0x1;
	s10 =	sld [smem:$0x3FBB];
	_ =	sdelay $0x3  }
0x37: {  	[smem:$0x3FBB] =	sst s10  }
0x38: {  	s10 =	sld [smem:$0x3FBC]  }
0x39: {  	_ = 	snop;
	(pc) =	sbr.ind lr, $3  }
0x3a: {  	_ = 	snop  }
0x3b: {  	_ = 	snop  }
0x3c: {  	p2 =	seq.s32 s10, $0x1;
	s10 =	sld [smem:$0x3FBB]  }
0x3d: {  	_ =	shalt  }
0x3e: {  	_ =	shalt  }
0x3f: {  	_ =	shalt  }
0x40: {  	_ =	shalt  }
0x41: {  	_ =	shalt  }
0x42: {  	_ =	shalt  }
0x43: {  	_ =	shalt  }
0x44: {  	_ =	shalt  }
0x45: {  	_ =	shalt  }
0x46: {  	_ =	shalt  }
0x47: {  	_ =	shalt  }
0x48: {  	_ =	shalt  }
0x49: {  	_ =	shalt  }
0x4a: {  	_ =	shalt  }
0x4b: {  	_ =	shalt  }
0x4c: {  	_ =	shalt  }
0x4d: {  	_ =	shalt  }
0x4e: {  	_ =	shalt  }
0x4f: {  	_ =	shalt  }
0x50: {  	_ =	shalt  }
0x51: {  	_ =	shalt  }
0x52: {  	_ =	shalt  }
0x53: {  	_ =	shalt  }
0x54: {  	_ =	shalt  }
0x55: {  	_ =	shalt  }
0x56: {  	_ =	shalt  }
0x57: {  	_ =	shalt  }
0x58: {  	_ =	shalt  }
0x59: {  	_ =	shalt  }
0x5a: {  	_ =	shalt  }
0x5b: {  	_ =	shalt  }
0x5c: {  	_ =	shalt  }
0x5d: {  	_ =	shalt  }
0x5e: {  	_ =	shalt  }
0x5f: {  	_ =	shalt  }
0x60: {  	_ =	shalt  }
0x61: {  	_ =	shalt  }
0x62: {  	_ =	shalt  }
0x63: {  	_ =	shalt  }
0x64: {  	_ =	shalt  }
0x65: {  	_ =	shalt  }
0x66: {  	_ =	shalt  }
0x67: {  	_ =	shalt  }
0x68: {  	_ =	shalt  }
0x69: {  	_ =	shalt  }
0x6a: {  	_ =	shalt  }
0x6b: {  	_ =	shalt  }
0x6c: {  	_ =	shalt  }
0x6d: {  	_ =	shalt  }
0x6e: {  	_ =	shalt  }
0x6f: {  	_ =	shalt  }
0x70: {  	_ =	shalt  }
0x71: {  	_ =	shalt  }
0x72: {  	_ =	shalt  }
0x73: {  	_ =	shalt  }
0x74: {  	_ =	shalt  }
0x75: {  	_ =	shalt  }
0x76: {  	_ =	shalt  }
0x77: {  	_ =	shalt  }
0x78: {  	_ =	shalt  }
0x79: {  	_ =	shalt  }
0x7a: {  	_ =	shalt  }
0x7b: {  	_ =	shalt  }
0x7c: {  	_ =	shalt  }
0x7d: {  	_ =	shalt  }
0x7e: {  	_ =	shalt  }
0x7f: {  	_ =	shalt  }
0x80: {  	_ =	shalt  }
0x81: {  	_ =	shalt  }
0x82: {  	_ =	shalt  }
0x83: {  	_ =	shalt  }
0x84: {  	_ =	shalt  }
0x85: {  	_ =	shalt  }
0x86: {  	_ =	shalt  }
0x87: {  	_ =	shalt  }
.Lfunc_end0:
.L_simem_size_0:
called_computation_lowered:
.L_overlay_start_0:
0x88: {  	s2 =	sld [smem:$0x3FD9]  }
0x89: {  	s3 =	sld [smem:$0x3FFE];
	_ =	sdelay $0x1  }
0x8a: {  	s1 =	srdreg.scid  }
0x8b: {  	s0 =	sand.u32 $0x1, s1  }
0x8c: {  	s18 =	sshll.u32 s0, $0xA;
	s2 =	sadd.s32 s3, s2  }
0x8d: {  	s2 =	sadd.s32 s2, s18  }
0x8e: {  	[smem:$0x3FC7] =	sst s2  }
0x8f: {  	_ = 	snop  }
0x90: {  	s2 =	sld [smem:$0x3FC9]  }
0x91: {  	s19 =	sld [smem:$0x3FD0];
	(tm) =	ssettm $0x1  }
0x92: {  	s4 =	sld [smem:$0x3FFB];
	_ =	sdelay $0x3  }
0x93: {  	_ =	strace s4  }
0x94: {  	s4 =	sld [smem:$0x3FFC];
	_ =	sdelay $0x3  }
0x95: {  	_ =	strace s4  }
0x96: {  	s4 =	sld [smem:$0x3FFD];
	_ =	sdelay $0x3  }
0x97: {  	_ =	strace s4  }
0x98: {  	_ =	strace $0x8FFFFFFF  }
0x99: {  	s20 =	sld [smem:$0x3FDB];
	_ =	sdelay $0x1  }
0x9a: {  	s5 =	simm.s32 $_scs_section_size  }
0x9b: {  	s6 =	simm.s32 $_size__tile_overlayer_lowered;
	s7 =	simm.s32 $_tile_overlayer_lowered  }
0x9c: {  	s23 =	simm.s32 $0x1BFF;
	s22 =	sshll.u32 s7, $0x1;
	s4 =	sadd.s32 s5, s20  }
0x9d: {  	s8 =	simm.s32 $0x0;
	s21 =	sshll.u32 s6, $0x1;
	s6 =	sadd.s32 s22, s4  }
0x9e: {  	[timem:s8], [sflag:s23] =	dma.local [hbm:s6], s21  }
0x9f: {  	_ =	swait.ge [sflag:s23], s21  }
0xa0: {  	s5 =	ssub.s32 $0x0, s21;
	[sflag:s23] =	ssyncset.done $0x0  }
0xa1: {  	[sflag:s23] =	ssyncadd.s32 s5;
	_ =	sdelay $0x1  }
0xa2: {  	s24 =	simm.s32 $0x1B8B  }
0xa3: {  	_ =	swait.ge [sflag:s24], $0x1  }
0xa4: {  	[sflag:s24] =	ssyncset.done $0x0  }
0xa5: {  	s25 =	simm.s32 $0x1B8E;
	[sflag:s24] =	ssyncadd.s32 $0xFFFFFFFF  }
0xa6: {  	s26 =	simm.s32 $execute0_lowered;
	[smem:$0x3FD2] =	sst s25  }
0xa7: {  	s5 =	sshll.u32 s26, $0x1;
	_ =	strace $0x80000046;
	[dreg:$0x1] =	wrdreg $0xFFFFFFFF  }
0xa8: {  	s28 =	simm.s32 $_size_execute0_lowered;
	s4 =	sadd.s32 s4, s5;
	[dreg:$0x0] =	wrdreg $0x0  }
0xa9: {  	s5 =	sshll.u32 s28, $0x1;
	[dreg:$0x2] =	wrdreg s4  }
0xaa: {  	[dreg:$0x3] =	wrdreg s5  }
0xab: {  	[dreg:$0x4] =	wrdreg $0xC0  }
0xac: {  	_ =	task [dreg:s8], $0x5FFFF  }
0xad: {  	[dreg:$0x1] =	wrdreg $0xFFFFFFFF  }
0xae: {  	[dreg:$0x0] =	wrdreg $0x60  }
0xaf: {  	[dreg:$0x2] =	wrdreg s2  }
0xb0: {  	[dreg:$0x3] =	wrdreg s19  }
0xb1: {  	[dreg:$0x4] =	wrdreg $0x9  }
0xb2: {  	_ =	task.clear_ibuf [dreg:s8], $0x5FFFF;
	_ =	strace $0x90000046  }
0xb3: {  	s29 =	simm.s32 $0x9;
	_ =	strace $0x80000048  }
0xb4: {  	_ =	swait.ge [sflag:s29], $0x1  }
0xb5: {  	[sflag:s29] =	ssyncadd.s32 $0xFFFFFFFF  }
0xb6: {  	_ =	strace $0x90000048  }
0xb7: {  	_ =	sfence  }
0xb8: {  	s30 =	sld [smem:$0x0];
	_ =	sdelay $0x2  }
0xb9: {  	s31 =	sshll.u32 s1, $0xD;
	s1 =	sshrl.u32 s1, $0x2  }
0xba: {  	s3 =	sand.u32 $0x4000, s31;
	s1 =	sadd.s32 s1, s30  }
0xbb: {  	s0 =	sor.u32 s3, s0;
	s1 =	sshll.u32 s1, $0x11  }
0xbc: {  	s0 =	sor.u32 s1, s0  }
0xbd: {  	s0 =	sadd.s32 $0x8F2B, s0  }
0xbe: {  	[sflag:s0] =	ssyncadd.remote.s32 $0x1  }
0xbf: {  	_ =	sfence.sel $0xFFFF  }
0xc0: {  	[dreg:$0x0] =	wrdreg $0xFFFFFFFF;
	(pc) =	sbr.abs _section_cstart, $3  }
0xc1: {  	[dreg:$0x1] =	wrdreg $0xFFFFFFFF  }
0xc2: {  	_ =	task.clear_ibuf [dreg:s8], $0x2FFFF;
	_ =	strace $0x9FFFFFFF  }
0xc3: {  	(tm) =	ssettm $0x7FFFFFFF  }
tec
execute0_lowered:
.L_overlay_start_1:
0x0: {  	(tag) =	ssettag $0x1  }
0x1: {  	v0 =	vimm.s32 $0xFEDCBA98  }
0x2: {  	v1 =	vimm.s32 $0x76543210;
	v2 =	vimm.s32 $0xBA98FEDC;
	v3 =	vimm.s32 $0x32107654  }
0x3: {  	s0 =	srdreg.scid;
	s4 =	rddreg [dreg:$0x0];
	v4 =	vimm.s32 $0xDCFE98BA;
	v5 =	vimm.s32 $0x54761032;
	v6 =	vimm.s32 $0xEFCDAB89  }
0x4: {  	s5 =	rddreg [dreg:$0x1];
	s1 =	simm.s32 $0x0;
	v7 =	vimm.s32 $0x67452301;
	s9 =	simm.s32 $0x800;
	v0 =	vunpack.c.l.s4.s8 v0;
	v1 =	vunpack.c.l.s4.s8 v1  }
0x5: {  	s10 =	simm.s32 $0x2;
	s11 =	simm.s32 $0x0;
	s3 =	sand.u32 $0x1, s0;
	v2 =	vunpack.c.l.s4.s8 v2;
	v3 =	vunpack.c.l.s4.s8 v3;
	v4 =	vunpack.c.l.s4.s8 v4  }
0x6: {  	s0 =	stileid.u32;
	[smem:$0x7FF] =	sst s1;
	v5 =	vunpack.c.l.s4.s8 v5;
	v6 =	vunpack.c.l.s4.s8 v6;
	v7 =	vunpack.c.l.s4.s8 v7;
	s2 =	sshll.u32 s3, $0x4  }
0x7: {  	s3 =	ssub.s32 $0x2, s3;
	v0 =	vunpack.c.0.s8.s32 v0;
	v1 =	vunpack.c.0.s8.s32 v1;
	s6 =	sor.u32 s0, s2;
	s2 =	rddreg [dreg:$0x2];
	v2 =	vunpack.c.0.s8.s32 v2  }
0x8: {  	_ =	strace $0x80000047;
	s8 =	sshrl.u32 s3, $0x1;
	v3 =	vunpack.c.0.s8.s32 v3;
	v4 =	vunpack.c.0.s8.s32 v4;
	v5 =	vunpack.c.0.s8.s32 v5;
	s7 =	smul.u32 $0x2BC00, s6  }
0x9: {  	v6 =	vunpack.c.0.s8.s32 v6;
	v7 =	vunpack.c.0.s8.s32 v7;
	s8 =	ssub.s32 s3, s8;
	s31 =	sshll.u32 s6, $0x1;
	s6 =	simm.s32 $0x400;
	v0 =	vand.u32 $0xF, v0  }
0xa: {  	s30 =	sadd.s32 s7, s4;
	s4 =	sadd.s32 s5, s31;
	s5 =	smax.u32 s8, $0x1;
	v0 =	vcombine.low v0, v1;
	v1 =	vcombine.low v3, v2  }
0xb: {  	s7 =	simm.s32 $0x1C00;
	s8 =	simm.s32 $0x1;
	v2 =	vcombine.low v5, v4;
	v3 =	vcombine.low v7, v6;
	v4 =	vlaneseq.u32;
	s3 =	sadd.s32 $0x180, s30  }
.LBB2_1:
0xc: {  	[tilespmem:s1], [sflag:$0x1] =	stream.strided.gather [hbm4b:s3+s6], $0x800, s7, s6, $0x38;
	[tilespmem:$0x880] =	vst v63  }
0xd: {  	_ =	swait.ge [sflag:s8], $0x800  }
0xe: {  	[sflag:s8] =	ssyncset.done $0x0  }
0xf: {  	s12 =	simm.s32 $0x50;
	[sflag:s8] =	ssyncadd.s32 $0xFFFFF800  }
0x10: {  	v5 =	vld [tilespmem:s12+$0xFFFFFFD0]  }
0x11: {  	v6 =	vld [tilespmem:s12+$0xFFFFFFE0];
	_ =	sdelay $0x1  }
0x12: {  	v7 =	vld [tilespmem:s12+$0xFFFFFFF0];
	_ =	sdelay $0x1  }
0x13: {  	s30 =	simm.s32 $0xD0;
	v8 =	vld [tilespmem:s12+$0x0]  }
0x14: {  	v9 =	vld [tilespmem:s30+$0xFFFFFFD0];
	v5 =	vadd.f32 v6, v5  }
0x15: {  	v6 =	vld [tilespmem:s30+$0xFFFFFFE0]  }
0x16: {  	v5 =	vadd.f32 v7, v5  }
0x17: {  	v7 =	vld [tilespmem:s30+$0xFFFFFFF0]  }
0x18: {  	v5 =	vadd.f32 v8, v5  }
0x19: {  	s31 =	simm.s32 $0x150;
	v8 =	vld [tilespmem:s30+$0x0]  }
0x1a: {  	v10 =	vld [tilespmem:s31+$0xFFFFFFD0];
	v6 =	vadd.f32 v6, v9;
	v9 =	vperm.xlane v5, v0  }
0x1b: {  	v11 =	vld [tilespmem:s31+$0xFFFFFFE0]  }
0x1c: {  	v6 =	vadd.f32 v7, v6;
	v5 =	vadd.f32 v9, v5  }
0x1d: {  	v9 =	vld [tilespmem:s31+$0xFFFFFFF0]  }
0x1e: {  	s15 =	simm.s32 $0x1D0;
	v12 =	vld [tilespmem:s31+$0x0];
	v8 =	vadd.f32 v8, v6;
	v6 =	vperm.xlane v5, v1  }
0x1f: {  	v7 =	vld [tilespmem:s15+$0xFFFFFFE0]  }
0x20: {  	v10 =	vadd.f32 v11, v10;
	v11 =	vperm.xlane v8, v0;
	v14 =	vadd.f32 v6, v5;
	v6 =	vld [tilespmem:s15+$0xFFFFFFD0];
	_ =	sdelay $0x1  }
0x21: {  	v9 =	vadd.f32 v9, v10;
	v8 =	vadd.f32 v11, v8;
	v10 =	vld [tilespmem:s15+$0xFFFFFFF0];
	v15 =	vperm.xlane v14, v2  }
0x22: {  	s14 =	simm.s32 $0x1;
	s13 =	simm.s32 $0x2;
	s16 =	simm.s32 $0x4;
	v5 =	vimm.f32 $0.0e+00  }
0x23: {  	s17 =	simm.s32 $0x250;
	s12 =	simm.s32 $0x3;
	v11 =	vadd.f32 v12, v9;
	v12 =	vld [tilespmem:s15+$0x0];
	v13 =	vperm.xlane v8, v1;
	s15 =	simm.s32 $0x0;
	v9 =	vadd.f32 v15, v14  }
.LBB2_2:
0x24: {  	v14 =	vadd.f32 v7, v6;
	v6 =	vld [tilespmem:s17+$0xFFFFFFD0];
	s18 =	smov.u32 s16;
	p0 =	sne.s32 s16, $0xF  }
.Ltmp0:
0x25: {  	v15 =	vperm.xlane v11, v0;
	v7 =	vld [tilespmem:s17+$0xFFFFFFE0];
	v16 =	vadd.f32 v13, v8;
	v13 =	vperm.xlane v9, v3;
	(pc) =	sbr.rel @p0 .LBB2_2-.Ltmp0, $4  }
0x26: {  	s16 =	sadd.s32 $0x1, s16;
	v17 =	vmov s15;
	s15 =	smov.u32 s14;
	v14 =	vadd.f32 v10, v14  }
0x27: {  	s14 =	smov.u32 s13;
	s13 =	smov.u32 s12;
	s12 =	smov.u32 s18;
	v8 =	vadd.f32 v15, v11;
	v10 =	vld [tilespmem:s17+$0xFFFFFFF0];
	v15 =	vperm.xlane v16, v2;
	v18 =	vadd.f32 v13, v9  }
0x28: {  	vm0 =	veq.s32 v17, v4;
	v11 =	vadd.f32 v12, v14  }
0x29: {  	v13 =	vperm.xlane v8, v1;
	v12 =	vld [tilespmem:s17+$0x0];
	s17 =	sadd.s32 $0x80, s17;
	v9 =	vadd.f32 v15, v16;
	v5 =	vsel vm0, v18, v5  }
0x2a: {  	v6 =	vadd.f32 v7, v6;
	_ =	sdelay $0x1  }
0x2b: {  	v6 =	vadd.f32 v10, v6;
	_ =	sdelay $0x1  }
0x2c: {  	v6 =	vadd.f32 v12, v6  }
0x2d: {  	v7 =	vperm.xlane v11, v0  }
0x2e: {  	v51 =	vperm.xlane v6, v0  }
0x2f: {  	v7 =	vadd.f32 v7, v11  }
0x30: {  	v6 =	vadd.f32 v51, v6  }
0x31: {  	v52 =	vperm.xlane v7, v1  }
0x32: {  	v8 =	vadd.f32 v13, v8;
	v53 =	vperm.xlane v6, v1  }
0x33: {  	v7 =	vadd.f32 v52, v7  }
0x34: {  	v54 =	vperm.xlane v8, v2;
	v6 =	vadd.f32 v53, v6  }
0x35: {  	v10 =	vperm.xlane v7, v2  }
0x36: {  	v57 =	vmov s15;
	v8 =	vadd.f32 v54, v8;
	v56 =	vperm.xlane v6, v2  }
0x37: {  	v59 =	vmov s14;
	v55 =	vperm.xlane v9, v3;
	v7 =	vadd.f32 v10, v7  }
0x38: {  	v62 =	vmov s13;
	v58 =	vperm.xlane v8, v3;
	v6 =	vadd.f32 v56, v6  }
0x39: {  	v63 =	vmov s12;
	v9 =	vadd.f32 v55, v9;
	v60 =	vperm.xlane v7, v3  }
0x3a: {  	vm0 =	veq.s32 v57, v4;
	v8 =	vadd.f32 v58, v8;
	v61 =	vperm.xlane v6, v3  }
0x3b: {  	vm13 =	veq.s32 v59, v4;
	v5 =	vsel vm0, v9, v5;
	v7 =	vadd.f32 v60, v7  }
0x3c: {  	vm14 =	veq.s32 v62, v4;
	v5 =	vsel vm13, v8, v5;
	v6 =	vadd.f32 v61, v6  }
0x3d: {  	s11 =	sadd.s32 $0x1, s11;
	vm15 =	veq.s32 v63, v4;
	v5 =	vsel vm14, v7, v5  }
0x3e: {  	p0 =	sne.s32 s11, s5;
	v5 =	vsel vm15, v6, v5  }
.Ltmp1:
0x3f: {  	[tilespmem:$0x800] =	vst v5;
	(pc) =	sbr.rel @p0 .LBB2_1-.Ltmp1, $4  }
0x40: {  	[hbm4b:s4+s1] =	stream.linear.scatter [tilespmem:s9], [sflag:$0x2], $0x10, $0x38;
	[tilespmem:$0x880] =	vst v63  }
0x41: {  	_ =	swait.ge [sflag:s10], $0x10  }
0x42: {  	[sflag:s10] =	ssyncset.done $0x0  }
0x43: {  	[sflag:s10] =	ssyncadd.s32 $0xFFFFFFF0  }
0x44: {  	_ =	sfence.sel $0x180000  }
0x45: {  	[bflag:$0x0] =	sbarrier.arrive $0xFFFF  }
0x46: {  	p0 =	sne.s32 s0, $0x0;
	_ =	strace $0x90000047  }
0x47: {  	s0 =	sadd.s32 @!p0 $0x100000, s2;
	[bflag:$0x2] =	sbarrier.arrive $0xFFFF  }
0x48: {  	[sflag:s0] =	ssyncadd.tile.s32 @!p0 $0x1;
	_ =	shalt  }
.Lfunc_end2:
_tile_overlayer_lowered:
.L_overlay_start_2:
0x49: {  	(tag) =	ssettag $0x2  }
0x4a: {  	s0 =	rddreg [dreg:$0x0];
	s2 =	stileid.u32  }
0x4b: {  	s1 =	rddreg [dreg:$0x1];
	p0 =	sne.s32 s2, $0x0  }
0x4c: {  	s3 =	rddreg [dreg:$0x2];
	[bflag:$0x3] =	sbarrier.arrive $0xFFFF;
	s2 =	simm.s32 @!p0 $0x1C02  }
0x4d: {  	[timem:s3], [sflag:s2] =	dma.local @!p0 [hbm:s0], s1  }
0x4e: {  	s0 =	simm.s32 @!p0 $0x2  }
0x4f: {  	_ =	swait.ge @!p0 [sflag:s0], s1  }
0x50: {  	s1 =	ssub.s32 @!p0 $0x0, s1;
	[sflag:s0] =	ssyncset.done @!p0 $0x0  }
0x51: {  	[sflag:s0] =	ssyncadd.s32 @!p0 s1  }
0x52: {  	[bflag:$0x3] =	sbarrier.arrive $0xFFFF  }
0x53: {  	_ =	shalt  }

</sc_bundles>
